<compile_context>
chip_gen: v7x
topology: tpu7x:2x2x1
jax: 0.10.2.dev20260603
libtpu: 0.0.44.dev20260713+nightly
codegen_flags: <defaults>
</compile_context>

<pallas_src>
import functools

import jax
import jax.numpy as jnp
from jax import lax
from jax.experimental import pallas as pl
from jax.experimental.pallas import tpu as pltpu
from jax.experimental.pallas import tpu_sc as plsc

_CLS_COEF = 1.0
_CONCEPT_COEF = 0.2
_CONCEPT_TEMP = 0.1

_NC, _NS, _L = 1, 16, 16
_NW = _NC * _NS


@functools.lru_cache(maxsize=None)
def _sc_gather_dedup(B, C, V, T):
    assert B % _NW == 0 and T % _L == 0
    bpw = B // _NW
    nck = T // _L

    def body(tbl_hbm, cls_hbm, tok_hbm, zkout_hbm,
             cls_v, tok_v, rowidx_v, rows_v, buf_v, outzk_v, sem):
        c = lax.axis_index("c")
        s = lax.axis_index("s")
        wid = s * _NC + c
        b0 = wid * bpw
        pltpu.sync_copy(cls_hbm, cls_v.at[pl.ds(0, B)])
        pltpu.sync_copy(tok_hbm.at[pl.ds(b0, bpw)], tok_v)
        lane = lax.iota(jnp.int32, _L)
        bsel = b0 + jnp.minimum(lane, bpw - 1)
        cvec = plsc.load_gather(cls_v, [bsel])
        rowidx_v[...] = bsel * C + cvec
        gat = pltpu.async_copy(
            tbl_hbm.at[rowidx_v.at[pl.ds(0, bpw)]], rows_v, sem)
        gat.wait()
        for j in range(bpw):
            jsplat = jnp.full((_L,), j, jnp.int32)
            for k in range(nck):
                t = tok_v[j, pl.ds(k * _L, _L)]
                plsc.store_scatter(buf_v, [t], lane + k * _L)
            for k in range(nck):
                t = tok_v[j, pl.ds(k * _L, _L)]
                win = plsc.load_gather(buf_v, [t])
                keep = win == (lane + k * _L)
                zv = plsc.load_gather(rows_v, [jsplat, t])
                outzk_v[j, pl.ds(k * _L, _L)] = zv
                outzk_v[j, pl.ds(T + k * _L, _L)] = jnp.where(keep, 1.0, 0.0)
        pltpu.sync_copy(outzk_v, zkout_hbm.at[pl.ds(b0, bpw)])

    return pl.kernel(
        body,
        out_type=[
            jax.ShapeDtypeStruct((B, 2 * T), jnp.float32),
        ],
        mesh=plsc.VectorSubcoreMesh(
            core_axis_name="c", subcore_axis_name="s",
            num_cores=_NC, num_subcores=_NS),
        compiler_params=pltpu.CompilerParams(needs_layout_passes=False),
        scratch_types=[
            pltpu.VMEM((max(B, 128),), jnp.int32),
            pltpu.VMEM((bpw, T), jnp.int32),
            pltpu.VMEM((_L,), jnp.int32),
            pltpu.VMEM((bpw, V), jnp.float32),
            pltpu.VMEM((V,), jnp.int32),
            pltpu.VMEM((bpw, 2 * T), jnp.float32),
            pltpu.SemaphoreType.DMA,
        ],
        name="sc_gather_dedup",
    )


def _tc_loss_body(x_ref, idx_ref, zk_ref, cls_out, con_out):
    x = x_ref[...]
    idx = idx_ref[...]
    m = jnp.max(x, axis=1, keepdims=True)
    lse = jnp.log(jnp.sum(jnp.exp(x - m), axis=1, keepdims=True)) + m
    col = lax.broadcasted_iota(jnp.int32, x.shape, 1)
    picked = jnp.sum(jnp.where(col == idx, x, 0.0), axis=1, keepdims=True)
    cls_out[0, 0] = _CLS_COEF * jnp.mean(lse - picked)

    zk = zk_ref[...]
    T = zk.shape[1] // 2
    z = zk[:, :T] / _CONCEPT_TEMP
    keep = zk[:, T:]
    bce = jnp.maximum(-z, 0.0) + jnp.log1p(jnp.exp(-jnp.abs(z)))
    con_out[0, 0] = _CONCEPT_COEF * (jnp.sum(keep * bce) / jnp.sum(keep))


def kernel(class_logits, class_vocab_logits, class_idxs, tokens):
    B, C, V = class_vocab_logits.shape
    T = tokens.shape[1]
    tbl = class_vocab_logits.reshape(B * C, V)
    cls32 = class_idxs.astype(jnp.int32)
    tok32 = tokens.astype(jnp.int32)

    (zk,) = _sc_gather_dedup(B, C, V, T)(tbl, cls32, tok32)

    l_cls, l_con = pl.pallas_call(
        _tc_loss_body,
        out_shape=[
            jax.ShapeDtypeStruct((1, 1), jnp.float32),
            jax.ShapeDtypeStruct((1, 1), jnp.float32),
        ],
        in_specs=[
            pl.BlockSpec(memory_space=pltpu.VMEM),
            pl.BlockSpec(memory_space=pltpu.VMEM),
            pl.BlockSpec(memory_space=pltpu.VMEM),
        ],
        out_specs=[
            pl.BlockSpec(memory_space=pltpu.SMEM),
            pl.BlockSpec(memory_space=pltpu.SMEM),
        ],
        name="tc_pnp_losses",
    )(class_logits, cls32[:, None], zk)
    return (l_cls[0, 0], l_con[0, 0])

# --- scband reference (transcript-rebuilt; emitter-appended) ---
"""Pipeline reference for scband-pnpcriterion-43696997270137 (READ-ONLY COPY).

The authoritative reference and input builder live on the scoring server;
editing this copy changes nothing except your own understanding.
"""

import jax, jax.numpy as jnp
import numpy as np

CLS_COEF = 1.0
CONCEPT_COEF = 0.2
CONCEPT_TEMP = 0.1


def setup_inputs(seed: int = 0) -> dict:
    key = jax.random.key(seed)
    k1, k2, k3, k4 = jax.random.split(key, 4)
    B, C, V, T = 64, 512, 2048, 32
    class_logits = jax.random.normal(k1, (B, C), dtype=jnp.float32)
    class_vocab_logits = jax.random.normal(k2, (B, C, V), dtype=jnp.float32)
    class_idxs = jax.random.randint(k3, (B,), 0, C, dtype=jnp.int64 if jax.config.jax_enable_x64 else jnp.int32)
    tokens = jax.random.randint(k4, (B, T), 0, V, dtype=jnp.int64 if jax.config.jax_enable_x64 else jnp.int32)
    return {"class_logits": class_logits, "class_vocab_logits": class_vocab_logits, "class_idxs": class_idxs, "tokens": tokens}


def reference(class_logits, class_vocab_logits, class_idxs, tokens):
    B, C, V = class_vocab_logits.shape
    # l_cls = cross_entropy(class_logits, labels)
    logp = jax.nn.log_softmax(class_logits, axis=-1)
    picked = jnp.take_along_axis(logp, class_idxs[:, None], axis=1)[:, 0]
    l_cls = -jnp.mean(picked)
    # build_concept_targets: multi-hot over vocab (scatter-set, duplicates idempotent)
    rows = jnp.arange(B)[:, None]
    concept_targets = jnp.zeros((B, V), dtype=jnp.float32).at[rows, tokens].set(1.0)
    # gather logits of the true class: [B, V]
    true_class_vocab_logits = class_vocab_logits[jnp.arange(B), class_idxs, :]
    pos_mask = concept_targets > 0
    # BCE-with-logits at positive targets (target==1): softplus(-z)
    z = true_class_vocab_logits / CONCEPT_TEMP
    bce = jax.nn.softplus(-z)
    n_pos = jnp.sum(pos_mask.astype(jnp.float32))
    l_concept = jnp.sum(jnp.where(pos_mask, bce, 0.0)) / n_pos
    return (CLS_COEF * l_cls, CONCEPT_COEF * l_concept)

if __name__ == "__main__":
    import jax
    _d = setup_inputs()
    print(jax.jit(kernel)(*tuple(_d.values())))

</pallas_src>

<mosaic_0001>
#map = affine_map<(d0, d1) -> (0, 0)>
#map1 = affine_map<(d0, d1) -> (0)>
module attributes {stable_mosaic.version = 14 : i64} {
  func.func @sc_gather_dedup(%arg0: i32, %arg1: i32, %arg2: memref<32768x2048xf32, #tpu.memory_space<hbm>>, %arg3: memref<64xi32, #tpu.memory_space<hbm>>, %arg4: memref<64x32xi32, #tpu.memory_space<hbm>>, %arg5: memref<64x64xf32, #tpu.memory_space<hbm>>, %arg6: memref<128xi32, #tpu.memory_space<vmem>>, %arg7: memref<4x32xi32, #tpu.memory_space<vmem>>, %arg8: memref<16xi32, #tpu.memory_space<vmem>>, %arg9: memref<4x2048xf32, #tpu.memory_space<vmem>>, %arg10: memref<2048xi32, #tpu.memory_space<vmem>>, %arg11: memref<4x64xf32, #tpu.memory_space<vmem>>, %arg12: memref<!tpu.dma_semaphore, #tpu.memory_space<semaphore_mem>>) attributes {dimension_semantics = [#tpu.dimension_semantics<core_parallel>, #tpu.dimension_semantics<subcore_parallel>], iteration_bounds = array<i64: 1, 16>, scalar_prefetch = 0 : i64, scratch_operands = 7 : i64, tpu.core_type = #tpu.core_type<sc_vector_subcore>, window_params = [{transform_indices = #map}, {transform_indices = #map1}, {transform_indices = #map}, {transform_indices = #map}]} {
    %mul3A = arith.constant 1 : i32
    %mul3A_0 = arith.muli %arg1, %mul3A : i32
    %add3A = arith.addi %mul3A_0, %arg0 : i32
    %mul3A_1 = arith.constant 4 : i32
    %mul3A_2 = arith.muli %add3A, %mul3A_1 : i32
    "tpu.region"() ({
      %run_scoped3A = tpu.sem_alloc : memref<!tpu.dma_semaphore, #tpu.memory_space<semaphore_mem>>
      %dma_start3A_263 = arith.constant 0 : i32
      %dma_start3A_264 = tpu.memref_slice %arg6[%dma_start3A_263] : memref<128xi32, #tpu.memory_space<vmem>> -> memref<64xi32, #tpu.memory_space<vmem>>
      %dma_start3A_265 = arith.constant 0 : i32
      %dma_start3A_266 = tpu.memref_slice %arg6[%dma_start3A_265] : memref<128xi32, #tpu.memory_space<vmem>> -> memref<64xi32, #tpu.memory_space<vmem>>
      tpu.enqueue_dma source(%arg3 : memref<64xi32, #tpu.memory_space<hbm>>) target(%dma_start3A_266 : memref<64xi32, #tpu.memory_space<vmem>>) target_semaphore(%run_scoped3A : memref<!tpu.dma_semaphore, #tpu.memory_space<semaphore_mem>>)
      %dma_wait3A_267 = arith.constant 0 : i32
      %dma_wait3A_268 = tpu.memref_slice %arg6[%dma_wait3A_267] : memref<128xi32, #tpu.memory_space<vmem>> -> memref<64xi32, #tpu.memory_space<vmem>>
      %dma_wait3A_269 = arith.constant 0 : i32
      %dma_wait3A_270 = tpu.memref_slice %arg6[%dma_wait3A_269] : memref<128xi32, #tpu.memory_space<vmem>> -> memref<64xi32, #tpu.memory_space<vmem>>
      tpu.wait_dma2 semaphore(%run_scoped3A : memref<!tpu.dma_semaphore, #tpu.memory_space<semaphore_mem>>) src(%arg3 : memref<64xi32, #tpu.memory_space<hbm>>) dst(%dma_wait3A_270 : memref<64xi32, #tpu.memory_space<vmem>>)
      tpu.yield
    }) : () -> ()
    "tpu.region"() ({
      %run_scoped3A = tpu.sem_alloc : memref<!tpu.dma_semaphore, #tpu.memory_space<semaphore_mem>>
      %dma_start3A_263 = arith.constant 0 : i32
      %dma_start3A_264 = tpu.memref_slice %arg4[%mul3A_2, %dma_start3A_263] : memref<64x32xi32, #tpu.memory_space<hbm>> -> memref<4x32xi32, #tpu.memory_space<hbm>>
      %dma_start3A_265 = arith.constant 0 : i32
      %dma_start3A_266 = tpu.memref_slice %arg4[%mul3A_2, %dma_start3A_265] : memref<64x32xi32, #tpu.memory_space<hbm>> -> memref<4x32xi32, #tpu.memory_space<hbm>>
      tpu.enqueue_dma source(%dma_start3A_266 : memref<4x32xi32, #tpu.memory_space<hbm>>) target(%arg7 : memref<4x32xi32, #tpu.memory_space<vmem>>) target_semaphore(%run_scoped3A : memref<!tpu.dma_semaphore, #tpu.memory_space<semaphore_mem>>)
      %dma_wait3A_267 = arith.constant 0 : i32
      %dma_wait3A_268 = tpu.memref_slice %arg4[%mul3A_2, %dma_wait3A_267] : memref<64x32xi32, #tpu.memory_space<hbm>> -> memref<4x32xi32, #tpu.memory_space<hbm>>
      %dma_wait3A_269 = arith.constant 0 : i32
      %dma_wait3A_270 = tpu.memref_slice %arg4[%mul3A_2, %dma_wait3A_269] : memref<64x32xi32, #tpu.memory_space<hbm>> -> memref<4x32xi32, #tpu.memory_space<hbm>>
      tpu.wait_dma2 semaphore(%run_scoped3A : memref<!tpu.dma_semaphore, #tpu.memory_space<semaphore_mem>>) src(%dma_wait3A_270 : memref<4x32xi32, #tpu.memory_space<hbm>>) dst(%arg7 : memref<4x32xi32, #tpu.memory_space<vmem>>)
      tpu.yield
    }) : () -> ()
    %iota3A = tpu.iota {dimensions = array<i32: 0>} : vector<16xi32>
    %min3A = arith.constant 3 : i32
    %min3A_3 = vector.broadcast %min3A : i32 to vector<16xi32>
    %min3A_4 = arith.minsi %iota3A, %min3A_3 : vector<16xi32>
    %add3A_5 = vector.broadcast %mul3A_2 : i32 to vector<16xi32>
    %add3A_6 = arith.addi %add3A_5, %min3A_4 : vector<16xi32>
    %gather3A = tpu.vector_load_idx %arg6[%add3A_6] : memref<128xi32, #tpu.memory_space<vmem>>[vector<16xi32>], vector<16xi32>,
    %mul3A_7 = arith.constant 512 : i32
    %mul3A_8 = vector.broadcast %mul3A_7 : i32 to vector<16xi32>
    %mul3A_9 = arith.muli %add3A_6, %mul3A_8 : vector<16xi32>
    %add3A_10 = arith.addi %mul3A_9, %gather3A : vector<16xi32>
    %swap3A = arith.constant 0 : index
    %swap3A_11 = tpu.vector_load %arg8[%swap3A] {strides = array<i32>} : memref<16xi32, #tpu.memory_space<vmem>>, vector<16xi32>,
    tpu.vector_store %arg8[%swap3A], %add3A_10 {strides = array<i32>} : memref<16xi32, #tpu.memory_space<vmem>>, vector<16xi32>,
    %dma_start3A = arith.constant 0 : i32
    %dma_start3A_12 = tpu.memref_slice %arg8[%dma_start3A] : memref<16xi32, #tpu.memory_space<vmem>> -> memref<4xi32, #tpu.memory_space<vmem>>
    %dma_start3A_13 = arith.constant 0 : i32
    %dma_start3A_14 = arith.constant 0 : i32
    %dma_start3A_15 = tpu.memref_slice %arg2[%dma_start3A_13, %dma_start3A_14] : memref<32768x2048xf32, #tpu.memory_space<hbm>> -> memref<32768x2048xf32, #tpu.memory_space<hbm>>
    tpu.enqueue_indirect_dma source(%dma_start3A_15 : memref<32768x2048xf32, #tpu.memory_space<hbm>>) target(%arg9 : memref<4x2048xf32, #tpu.memory_space<vmem>>) offsets(%dma_start3A_12 : memref<4xi32, #tpu.memory_space<vmem>>) semaphore(%arg12 : memref<!tpu.dma_semaphore, #tpu.memory_space<semaphore_mem>>)
    %dma_wait3A = arith.constant 0 : i32
    %dma_wait3A_16 = tpu.memref_slice %arg8[%dma_wait3A] : memref<16xi32, #tpu.memory_space<vmem>> -> memref<4xi32, #tpu.memory_space<vmem>>
    %dma_wait3A_17 = arith.constant 0 : i32
    %dma_wait3A_18 = arith.constant 0 : i32
    %dma_wait3A_19 = tpu.memref_slice %arg2[%dma_wait3A_17, %dma_wait3A_18] : memref<32768x2048xf32, #tpu.memory_space<hbm>> -> memref<32768x2048xf32, #tpu.memory_space<hbm>>
    tpu.wait_indirect_dma semaphore(%arg12 : memref<!tpu.dma_semaphore, #tpu.memory_space<semaphore_mem>>) src(%dma_wait3A_19 : memref<32768x2048xf32, #tpu.memory_space<hbm>>) dst(%arg9 : memref<4x2048xf32, #tpu.memory_space<vmem>>)
    %broadcast_in_dim3A = arith.constant 0 : i32
    %broadcast_in_dim3A_20 = vector.broadcast %broadcast_in_dim3A : i32 to vector<16xi32>
    %get3A = arith.constant 0 : i32
    %get3A_21 = arith.index_cast %get3A : i32 to index
    %get3A_22 = arith.constant 0 : index
    %get3A_23 = tpu.vector_load %arg7[%get3A_21, %get3A_22] {strides = array<i32>} : memref<4x32xi32, #tpu.memory_space<vmem>>, vector<16xi32>,
    %add3A_24 = arith.constant 0 : i32
    %add3A_25 = vector.broadcast %add3A_24 : i32 to vector<16xi32>
    %add3A_26 = arith.addi %iota3A, %add3A_25 : vector<16xi32>
    tpu.vector_store_idx %arg10[%get3A_23], %add3A_26 : memref<2048xi32, #tpu.memory_space<vmem>>[vector<16xi32>], vector<16xi32>,
    %get3A_27 = arith.constant 0 : i32
    %get3A_28 = arith.index_cast %get3A_27 : i32 to index
    %get3A_29 = arith.constant 16 : index
    %get3A_30 = tpu.vector_load %arg7[%get3A_28, %get3A_29] {strides = array<i32>} : memref<4x32xi32, #tpu.memory_space<vmem>>, vector<16xi32>,
    %add3A_31 = arith.constant 16 : i32
    %add3A_32 = vector.broadcast %add3A_31 : i32 to vector<16xi32>
    %add3A_33 = arith.addi %iota3A, %add3A_32 : vector<16xi32>
    tpu.vector_store_idx %arg10[%get3A_30], %add3A_33 : memref<2048xi32, #tpu.memory_space<vmem>>[vector<16xi32>], vector<16xi32>,
    %get3A_34 = arith.constant 0 : i32
    %get3A_35 = arith.index_cast %get3A_34 : i32 to index
    %get3A_36 = arith.constant 0 : index
    %get3A_37 = tpu.vector_load %arg7[%get3A_35, %get3A_36] {strides = array<i32>} : memref<4x32xi32, #tpu.memory_space<vmem>>, vector<16xi32>,
    %gather3A_38 = tpu.vector_load_idx %arg10[%get3A_37] : memref<2048xi32, #tpu.memory_space<vmem>>[vector<16xi32>], vector<16xi32>,
    %add3A_39 = arith.constant 0 : i32
    %add3A_40 = vector.broadcast %add3A_39 : i32 to vector<16xi32>
    %add3A_41 = arith.addi %iota3A, %add3A_40 : vector<16xi32>
    %eq3A = arith.cmpi eq, %gather3A_38, %add3A_41 : vector<16xi32>
    %gather3A_42 = tpu.vector_load_idx %arg9[%broadcast_in_dim3A_20, %get3A_37] : memref<4x2048xf32, #tpu.memory_space<vmem>>[vector<16xi32>, vector<16xi32>], vector<16xf32>,
    %swap3A_43 = arith.constant 0 : i32
    %swap3A_44 = arith.index_cast %swap3A_43 : i32 to index
    %swap3A_45 = arith.constant 0 : index
    %swap3A_46 = tpu.vector_load %arg11[%swap3A_44, %swap3A_45] {strides = array<i32>} : memref<4x64xf32, #tpu.memory_space<vmem>>, vector<16xf32>,
    tpu.vector_store %arg11[%swap3A_44, %swap3A_45], %gather3A_42 {strides = array<i32>} : memref<4x64xf32, #tpu.memory_space<vmem>>, vector<16xf32>,
    %jit3A = arith.constant 1.000000e+00 : f32
    %jit3A_47 = arith.constant 0.000000e+00 : f32
    %broadcast_in_dim3A_48 = vector.broadcast %jit3A : f32 to vector<16xf32>
    %broadcast_in_dim3A_49 = vector.broadcast %jit3A_47 : f32 to vector<16xf32>
    %select_n3A = arith.select %eq3A, %broadcast_in_dim3A_48, %broadcast_in_dim3A_49 : vector<16xi1>, vector<16xf32>
    %swap3A_50 = arith.constant 0 : i32
    %swap3A_51 = arith.index_cast %swap3A_50 : i32 to index
    %swap3A_52 = arith.constant 32 : index
    %swap3A_53 = tpu.vector_load %arg11[%swap3A_51, %swap3A_52] {strides = array<i32>} : memref<4x64xf32, #tpu.memory_space<vmem>>, vector<16xf32>,
    tpu.vector_store %arg11[%swap3A_51, %swap3A_52], %select_n3A {strides = array<i32>} : memref<4x64xf32, #tpu.memory_space<vmem>>, vector<16xf32>,
    %get3A_54 = arith.constant 0 : i32
    %get3A_55 = arith.index_cast %get3A_54 : i32 to index
    %get3A_56 = arith.constant 16 : index
    %get3A_57 = tpu.vector_load %arg7[%get3A_55, %get3A_56] {strides = array<i32>} : memref<4x32xi32, #tpu.memory_space<vmem>>, vector<16xi32>,
    %gather3A_58 = tpu.vector_load_idx %arg10[%get3A_57] : memref<2048xi32, #tpu.memory_space<vmem>>[vector<16xi32>], vector<16xi32>,
    %add3A_59 = arith.constant 16 : i32
    %add3A_60 = vector.broadcast %add3A_59 : i32 to vector<16xi32>
    %add3A_61 = arith.addi %iota3A, %add3A_60 : vector<16xi32>
    %eq3A_62 = arith.cmpi eq, %gather3A_58, %add3A_61 : vector<16xi32>
    %gather3A_63 = tpu.vector_load_idx %arg9[%broadcast_in_dim3A_20, %get3A_57] : memref<4x2048xf32, #tpu.memory_space<vmem>>[vector<16xi32>, vector<16xi32>], vector<16xf32>,
    %swap3A_64 = arith.constant 0 : i32
    %swap3A_65 = arith.index_cast %swap3A_64 : i32 to index
    %swap3A_66 = arith.constant 16 : index
    %swap3A_67 = tpu.vector_load %arg11[%swap3A_65, %swap3A_66] {strides = array<i32>} : memref<4x64xf32, #tpu.memory_space<vmem>>, vector<16xf32>,
    tpu.vector_store %arg11[%swap3A_65, %swap3A_66], %gather3A_63 {strides = array<i32>} : memref<4x64xf32, #tpu.memory_space<vmem>>, vector<16xf32>,
    %jit3A_68 = arith.constant 1.000000e+00 : f32
    %jit3A_69 = arith.constant 0.000000e+00 : f32
    %broadcast_in_dim3A_70 = vector.broadcast %jit3A_68 : f32 to vector<16xf32>
    %broadcast_in_dim3A_71 = vector.broadcast %jit3A_69 : f32 to vector<16xf32>
    %select_n3A_72 = arith.select %eq3A_62, %broadcast_in_dim3A_70, %broadcast_in_dim3A_71 : vector<16xi1>, vector<16xf32>
    %swap3A_73 = arith.constant 0 : i32
    %swap3A_74 = arith.index_cast %swap3A_73 : i32 to index
    %swap3A_75 = arith.constant 48 : index
    %swap3A_76 = tpu.vector_load %arg11[%swap3A_74, %swap3A_75] {strides = array<i32>} : memref<4x64xf32, #tpu.memory_space<vmem>>, vector<16xf32>,
    tpu.vector_store %arg11[%swap3A_74, %swap3A_75], %select_n3A_72 {strides = array<i32>} : memref<4x64xf32, #tpu.memory_space<vmem>>, vector<16xf32>,
    %broadcast_in_dim3A_77 = arith.constant 1 : i32
    %broadcast_in_dim3A_78 = vector.broadcast %broadcast_in_dim3A_77 : i32 to vector<16xi32>
    %get3A_79 = arith.constant 1 : i32
    %get3A_80 = arith.index_cast %get3A_79 : i32 to index
    %get3A_81 = arith.constant 0 : index
    %get3A_82 = tpu.vector_load %arg7[%get3A_80, %get3A_81] {strides = array<i32>} : memref<4x32xi32, #tpu.memory_space<vmem>>, vector<16xi32>,
    %add3A_83 = arith.constant 0 : i32
    %add3A_84 = vector.broadcast %add3A_83 : i32 to vector<16xi32>
    %add3A_85 = arith.addi %iota3A, %add3A_84 : vector<16xi32>
    tpu.vector_store_idx %arg10[%get3A_82], %add3A_85 : memref<2048xi32, #tpu.memory_space<vmem>>[vector<16xi32>], vector<16xi32>,
    %get3A_86 = arith.constant 1 : i32
    %get3A_87 = arith.index_cast %get3A_86 : i32 to index
    %get3A_88 = arith.constant 16 : index
    %get3A_89 = tpu.vector_load %arg7[%get3A_87, %get3A_88] {strides = array<i32>} : memref<4x32xi32, #tpu.memory_space<vmem>>, vector<16xi32>,
    %add3A_90 = arith.constant 16 : i32
    %add3A_91 = vector.broadcast %add3A_90 : i32 to vector<16xi32>
    %add3A_92 = arith.addi %iota3A, %add3A_91 : vector<16xi32>
    tpu.vector_store_idx %arg10[%get3A_89], %add3A_92 : memref<2048xi32, #tpu.memory_space<vmem>>[vector<16xi32>], vector<16xi32>,
    %get3A_93 = arith.constant 1 : i32
    %get3A_94 = arith.index_cast %get3A_93 : i32 to index
    %get3A_95 = arith.constant 0 : index
    %get3A_96 = tpu.vector_load %arg7[%get3A_94, %get3A_95] {strides = array<i32>} : memref<4x32xi32, #tpu.memory_space<vmem>>, vector<16xi32>,
    %gather3A_97 = tpu.vector_load_idx %arg10[%get3A_96] : memref<2048xi32, #tpu.memory_space<vmem>>[vector<16xi32>], vector<16xi32>,
    %add3A_98 = arith.constant 0 : i32
    %add3A_99 = vector.broadcast %add3A_98 : i32 to vector<16xi32>
    %add3A_100 = arith.addi %iota3A, %add3A_99 : vector<16xi32>
    %eq3A_101 = arith.cmpi eq, %gather3A_97, %add3A_100 : vector<16xi32>
    %gather3A_102 = tpu.vector_load_idx %arg9[%broadcast_in_dim3A_78, %get3A_96] : memref<4x2048xf32, #tpu.memory_space<vmem>>[vector<16xi32>, vector<16xi32>], vector<16xf32>,
    %swap3A_103 = arith.constant 1 : i32
    %swap3A_104 = arith.index_cast %swap3A_103 : i32 to index
    %swap3A_105 = arith.constant 0 : index
    %swap3A_106 = tpu.vector_load %arg11[%swap3A_104, %swap3A_105] {strides = array<i32>} : memref<4x64xf32, #tpu.memory_space<vmem>>, vector<16xf32>,
    tpu.vector_store %arg11[%swap3A_104, %swap3A_105], %gather3A_102 {strides = array<i32>} : memref<4x64xf32, #tpu.memory_space<vmem>>, vector<16xf32>,
    %jit3A_107 = arith.constant 1.000000e+00 : f32
    %jit3A_108 = arith.constant 0.000000e+00 : f32
    %broadcast_in_dim3A_109 = vector.broadcast %jit3A_107 : f32 to vector<16xf32>
    %broadcast_in_dim3A_110 = vector.broadcast %jit3A_108 : f32 to vector<16xf32>
    %select_n3A_111 = arith.select %eq3A_101, %broadcast_in_dim3A_109, %broadcast_in_dim3A_110 : vector<16xi1>, vector<16xf32>
    %swap3A_112 = arith.constant 1 : i32
    %swap3A_113 = arith.index_cast %swap3A_112 : i32 to index
    %swap3A_114 = arith.constant 32 : index
    %swap3A_115 = tpu.vector_load %arg11[%swap3A_113, %swap3A_114] {strides = array<i32>} : memref<4x64xf32, #tpu.memory_space<vmem>>, vector<16xf32>,
    tpu.vector_store %arg11[%swap3A_113, %swap3A_114], %select_n3A_111 {strides = array<i32>} : memref<4x64xf32, #tpu.memory_space<vmem>>, vector<16xf32>,
    %get3A_116 = arith.constant 1 : i32
    %get3A_117 = arith.index_cast %get3A_116 : i32 to index
    %get3A_118 = arith.constant 16 : index
    %get3A_119 = tpu.vector_load %arg7[%get3A_117, %get3A_118] {strides = array<i32>} : memref<4x32xi32, #tpu.memory_space<vmem>>, vector<16xi32>,
    %gather3A_120 = tpu.vector_load_idx %arg10[%get3A_119] : memref<2048xi32, #tpu.memory_space<vmem>>[vector<16xi32>], vector<16xi32>,
    %add3A_121 = arith.constant 16 : i32
    %add3A_122 = vector.broadcast %add3A_121 : i32 to vector<16xi32>
    %add3A_123 = arith.addi %iota3A, %add3A_122 : vector<16xi32>
    %eq3A_124 = arith.cmpi eq, %gather3A_120, %add3A_123 : vector<16xi32>
    %gather3A_125 = tpu.vector_load_idx %arg9[%broadcast_in_dim3A_78, %get3A_119] : memref<4x2048xf32, #tpu.memory_space<vmem>>[vector<16xi32>, vector<16xi32>], vector<16xf32>,
    %swap3A_126 = arith.constant 1 : i32
    %swap3A_127 = arith.index_cast %swap3A_126 : i32 to index
    %swap3A_128 = arith.constant 16 : index
    %swap3A_129 = tpu.vector_load %arg11[%swap3A_127, %swap3A_128] {strides = array<i32>} : memref<4x64xf32, #tpu.memory_space<vmem>>, vector<16xf32>,
    tpu.vector_store %arg11[%swap3A_127, %swap3A_128], %gather3A_125 {strides = array<i32>} : memref<4x64xf32, #tpu.memory_space<vmem>>, vector<16xf32>,
    %jit3A_130 = arith.constant 1.000000e+00 : f32
    %jit3A_131 = arith.constant 0.000000e+00 : f32
    %broadcast_in_dim3A_132 = vector.broadcast %jit3A_130 : f32 to vector<16xf32>
    %broadcast_in_dim3A_133 = vector.broadcast %jit3A_131 : f32 to vector<16xf32>
    %select_n3A_134 = arith.select %eq3A_124, %broadcast_in_dim3A_132, %broadcast_in_dim3A_133 : vector<16xi1>, vector<16xf32>
    %swap3A_135 = arith.constant 1 : i32
    %swap3A_136 = arith.index_cast %swap3A_135 : i32 to index
    %swap3A_137 = arith.constant 48 : index
    %swap3A_138 = tpu.vector_load %arg11[%swap3A_136, %swap3A_137] {strides = array<i32>} : memref<4x64xf32, #tpu.memory_space<vmem>>, vector<16xf32>,
    tpu.vector_store %arg11[%swap3A_136, %swap3A_137], %select_n3A_134 {strides = array<i32>} : memref<4x64xf32, #tpu.memory_space<vmem>>, vector<16xf32>,
    %broadcast_in_dim3A_139 = arith.constant 2 : i32
    %broadcast_in_dim3A_140 = vector.broadcast %broadcast_in_dim3A_139 : i32 to vector<16xi32>
    %get3A_141 = arith.constant 2 : i32
    %get3A_142 = arith.index_cast %get3A_141 : i32 to index
    %get3A_143 = arith.constant 0 : index
    %get3A_144 = tpu.vector_load %arg7[%get3A_142, %get3A_143] {strides = array<i32>} : memref<4x32xi32, #tpu.memory_space<vmem>>, vector<16xi32>,
    %add3A_145 = arith.constant 0 : i32
    %add3A_146 = vector.broadcast %add3A_145 : i32 to vector<16xi32>
    %add3A_147 = arith.addi %iota3A, %add3A_146 : vector<16xi32>
    tpu.vector_store_idx %arg10[%get3A_144], %add3A_147 : memref<2048xi32, #tpu.memory_space<vmem>>[vector<16xi32>], vector<16xi32>,
    %get3A_148 = arith.constant 2 : i32
    %get3A_149 = arith.index_cast %get3A_148 : i32 to index
    %get3A_150 = arith.constant 16 : index
    %get3A_151 = tpu.vector_load %arg7[%get3A_149, %get3A_150] {strides = array<i32>} : memref<4x32xi32, #tpu.memory_space<vmem>>, vector<16xi32>,
    %add3A_152 = arith.constant 16 : i32
    %add3A_153 = vector.broadcast %add3A_152 : i32 to vector<16xi32>
    %add3A_154 = arith.addi %iota3A, %add3A_153 : vector<16xi32>
    tpu.vector_store_idx %arg10[%get3A_151], %add3A_154 : memref<2048xi32, #tpu.memory_space<vmem>>[vector<16xi32>], vector<16xi32>,
    %get3A_155 = arith.constant 2 : i32
    %get3A_156 = arith.index_cast %get3A_155 : i32 to index
    %get3A_157 = arith.constant 0 : index
    %get3A_158 = tpu.vector_load %arg7[%get3A_156, %get3A_157] {strides = array<i32>} : memref<4x32xi32, #tpu.memory_space<vmem>>, vector<16xi32>,
    %gather3A_159 = tpu.vector_load_idx %arg10[%get3A_158] : memref<2048xi32, #tpu.memory_space<vmem>>[vector<16xi32>], vector<16xi32>,
    %add3A_160 = arith.constant 0 : i32
    %add3A_161 = vector.broadcast %add3A_160 : i32 to vector<16xi32>
    %add3A_162 = arith.addi %iota3A, %add3A_161 : vector<16xi32>
    %eq3A_163 = arith.cmpi eq, %gather3A_159, %add3A_162 : vector<16xi32>
    %gather3A_164 = tpu.vector_load_idx %arg9[%broadcast_in_dim3A_140, %get3A_158] : memref<4x2048xf32, #tpu.memory_space<vmem>>[vector<16xi32>, vector<16xi32>], vector<16xf32>,
    %swap3A_165 = arith.constant 2 : i32
    %swap3A_166 = arith.index_cast %swap3A_165 : i32 to index
    %swap3A_167 = arith.constant 0 : index
    %swap3A_168 = tpu.vector_load %arg11[%swap3A_166, %swap3A_167] {strides = array<i32>} : memref<4x64xf32, #tpu.memory_space<vmem>>, vector<16xf32>,
    tpu.vector_store %arg11[%swap3A_166, %swap3A_167], %gather3A_164 {strides = array<i32>} : memref<4x64xf32, #tpu.memory_space<vmem>>, vector<16xf32>,
    %jit3A_169 = arith.constant 1.000000e+00 : f32
    %jit3A_170 = arith.constant 0.000000e+00 : f32
    %broadcast_in_dim3A_171 = vector.broadcast %jit3A_169 : f32 to vector<16xf32>
    %broadcast_in_dim3A_172 = vector.broadcast %jit3A_170 : f32 to vector<16xf32>
    %select_n3A_173 = arith.select %eq3A_163, %broadcast_in_dim3A_171, %broadcast_in_dim3A_172 : vector<16xi1>, vector<16xf32>
    %swap3A_174 = arith.constant 2 : i32
    %swap3A_175 = arith.index_cast %swap3A_174 : i32 to index
    %swap3A_176 = arith.constant 32 : index
    %swap3A_177 = tpu.vector_load %arg11[%swap3A_175, %swap3A_176] {strides = array<i32>} : memref<4x64xf32, #tpu.memory_space<vmem>>, vector<16xf32>,
    tpu.vector_store %arg11[%swap3A_175, %swap3A_176], %select_n3A_173 {strides = array<i32>} : memref<4x64xf32, #tpu.memory_space<vmem>>, vector<16xf32>,
    %get3A_178 = arith.constant 2 : i32
    %get3A_179 = arith.index_cast %get3A_178 : i32 to index
    %get3A_180 = arith.constant 16 : index
    %get3A_181 = tpu.vector_load %arg7[%get3A_179, %get3A_180] {strides = array<i32>} : memref<4x32xi32, #tpu.memory_space<vmem>>, vector<16xi32>,
    %gather3A_182 = tpu.vector_load_idx %arg10[%get3A_181] : memref<2048xi32, #tpu.memory_space<vmem>>[vector<16xi32>], vector<16xi32>,
    %add3A_183 = arith.constant 16 : i32
    %add3A_184 = vector.broadcast %add3A_183 : i32 to vector<16xi32>
    %add3A_185 = arith.addi %iota3A, %add3A_184 : vector<16xi32>
    %eq3A_186 = arith.cmpi eq, %gather3A_182, %add3A_185 : vector<16xi32>
    %gather3A_187 = tpu.vector_load_idx %arg9[%broadcast_in_dim3A_140, %get3A_181] : memref<4x2048xf32, #tpu.memory_space<vmem>>[vector<16xi32>, vector<16xi32>], vector<16xf32>,
    %swap3A_188 = arith.constant 2 : i32
    %swap3A_189 = arith.index_cast %swap3A_188 : i32 to index
    %swap3A_190 = arith.constant 16 : index
    %swap3A_191 = tpu.vector_load %arg11[%swap3A_189, %swap3A_190] {strides = array<i32>} : memref<4x64xf32, #tpu.memory_space<vmem>>, vector<16xf32>,
    tpu.vector_store %arg11[%swap3A_189, %swap3A_190], %gather3A_187 {strides = array<i32>} : memref<4x64xf32, #tpu.memory_space<vmem>>, vector<16xf32>,
    %jit3A_192 = arith.constant 1.000000e+00 : f32
    %jit3A_193 = arith.constant 0.000000e+00 : f32
    %broadcast_in_dim3A_194 = vector.broadcast %jit3A_192 : f32 to vector<16xf32>
    %broadcast_in_dim3A_195 = vector.broadcast %jit3A_193 : f32 to vector<16xf32>
    %select_n3A_196 = arith.select %eq3A_186, %broadcast_in_dim3A_194, %broadcast_in_dim3A_195 : vector<16xi1>, vector<16xf32>
    %swap3A_197 = arith.constant 2 : i32
    %swap3A_198 = arith.index_cast %swap3A_197 : i32 to index
    %swap3A_199 = arith.constant 48 : index
    %swap3A_200 = tpu.vector_load %arg11[%swap3A_198, %swap3A_199] {strides = array<i32>} : memref<4x64xf32, #tpu.memory_space<vmem>>, vector<16xf32>,
    tpu.vector_store %arg11[%swap3A_198, %swap3A_199], %select_n3A_196 {strides = array<i32>} : memref<4x64xf32, #tpu.memory_space<vmem>>, vector<16xf32>,
    %broadcast_in_dim3A_201 = arith.constant 3 : i32
    %broadcast_in_dim3A_202 = vector.broadcast %broadcast_in_dim3A_201 : i32 to vector<16xi32>
    %get3A_203 = arith.constant 3 : i32
    %get3A_204 = arith.index_cast %get3A_203 : i32 to index
    %get3A_205 = arith.constant 0 : index
    %get3A_206 = tpu.vector_load %arg7[%get3A_204, %get3A_205] {strides = array<i32>} : memref<4x32xi32, #tpu.memory_space<vmem>>, vector<16xi32>,
    %add3A_207 = arith.constant 0 : i32
    %add3A_208 = vector.broadcast %add3A_207 : i32 to vector<16xi32>
    %add3A_209 = arith.addi %iota3A, %add3A_208 : vector<16xi32>
    tpu.vector_store_idx %arg10[%get3A_206], %add3A_209 : memref<2048xi32, #tpu.memory_space<vmem>>[vector<16xi32>], vector<16xi32>,
    %get3A_210 = arith.constant 3 : i32
    %get3A_211 = arith.index_cast %get3A_210 : i32 to index
    %get3A_212 = arith.constant 16 : index
    %get3A_213 = tpu.vector_load %arg7[%get3A_211, %get3A_212] {strides = array<i32>} : memref<4x32xi32, #tpu.memory_space<vmem>>, vector<16xi32>,
    %add3A_214 = arith.constant 16 : i32
    %add3A_215 = vector.broadcast %add3A_214 : i32 to vector<16xi32>
    %add3A_216 = arith.addi %iota3A, %add3A_215 : vector<16xi32>
    tpu.vector_store_idx %arg10[%get3A_213], %add3A_216 : memref<2048xi32, #tpu.memory_space<vmem>>[vector<16xi32>], vector<16xi32>,
    %get3A_217 = arith.constant 3 : i32
    %get3A_218 = arith.index_cast %get3A_217 : i32 to index
    %get3A_219 = arith.constant 0 : index
    %get3A_220 = tpu.vector_load %arg7[%get3A_218, %get3A_219] {strides = array<i32>} : memref<4x32xi32, #tpu.memory_space<vmem>>, vector<16xi32>,
    %gather3A_221 = tpu.vector_load_idx %arg10[%get3A_220] : memref<2048xi32, #tpu.memory_space<vmem>>[vector<16xi32>], vector<16xi32>,
    %add3A_222 = arith.constant 0 : i32
    %add3A_223 = vector.broadcast %add3A_222 : i32 to vector<16xi32>
    %add3A_224 = arith.addi %iota3A, %add3A_223 : vector<16xi32>
    %eq3A_225 = arith.cmpi eq, %gather3A_221, %add3A_224 : vector<16xi32>
    %gather3A_226 = tpu.vector_load_idx %arg9[%broadcast_in_dim3A_202, %get3A_220] : memref<4x2048xf32, #tpu.memory_space<vmem>>[vector<16xi32>, vector<16xi32>], vector<16xf32>,
    %swap3A_227 = arith.constant 3 : i32
    %swap3A_228 = arith.index_cast %swap3A_227 : i32 to index
    %swap3A_229 = arith.constant 0 : index
    %swap3A_230 = tpu.vector_load %arg11[%swap3A_228, %swap3A_229] {strides = array<i32>} : memref<4x64xf32, #tpu.memory_space<vmem>>, vector<16xf32>,
    tpu.vector_store %arg11[%swap3A_228, %swap3A_229], %gather3A_226 {strides = array<i32>} : memref<4x64xf32, #tpu.memory_space<vmem>>, vector<16xf32>,
    %jit3A_231 = arith.constant 1.000000e+00 : f32
    %jit3A_232 = arith.constant 0.000000e+00 : f32
    %broadcast_in_dim3A_233 = vector.broadcast %jit3A_231 : f32 to vector<16xf32>
    %broadcast_in_dim3A_234 = vector.broadcast %jit3A_232 : f32 to vector<16xf32>
    %select_n3A_235 = arith.select %eq3A_225, %broadcast_in_dim3A_233, %broadcast_in_dim3A_234 : vector<16xi1>, vector<16xf32>
    %swap3A_236 = arith.constant 3 : i32
    %swap3A_237 = arith.index_cast %swap3A_236 : i32 to index
    %swap3A_238 = arith.constant 32 : index
    %swap3A_239 = tpu.vector_load %arg11[%swap3A_237, %swap3A_238] {strides = array<i32>} : memref<4x64xf32, #tpu.memory_space<vmem>>, vector<16xf32>,
    tpu.vector_store %arg11[%swap3A_237, %swap3A_238], %select_n3A_235 {strides = array<i32>} : memref<4x64xf32, #tpu.memory_space<vmem>>, vector<16xf32>,
    %get3A_240 = arith.constant 3 : i32
    %get3A_241 = arith.index_cast %get3A_240 : i32 to index
    %get3A_242 = arith.constant 16 : index
    %get3A_243 = tpu.vector_load %arg7[%get3A_241, %get3A_242] {strides = array<i32>} : memref<4x32xi32, #tpu.memory_space<vmem>>, vector<16xi32>,
    %gather3A_244 = tpu.vector_load_idx %arg10[%get3A_243] : memref<2048xi32, #tpu.memory_space<vmem>>[vector<16xi32>], vector<16xi32>,
    %add3A_245 = arith.constant 16 : i32
    %add3A_246 = vector.broadcast %add3A_245 : i32 to vector<16xi32>
    %add3A_247 = arith.addi %iota3A, %add3A_246 : vector<16xi32>
    %eq3A_248 = arith.cmpi eq, %gather3A_244, %add3A_247 : vector<16xi32>
    %gather3A_249 = tpu.vector_load_idx %arg9[%broadcast_in_dim3A_202, %get3A_243] : memref<4x2048xf32, #tpu.memory_space<vmem>>[vector<16xi32>, vector<16xi32>], vector<16xf32>,
    %swap3A_250 = arith.constant 3 : i32
    %swap3A_251 = arith.index_cast %swap3A_250 : i32 to index
    %swap3A_252 = arith.constant 16 : index
    %swap3A_253 = tpu.vector_load %arg11[%swap3A_251, %swap3A_252] {strides = array<i32>} : memref<4x64xf32, #tpu.memory_space<vmem>>, vector<16xf32>,
    tpu.vector_store %arg11[%swap3A_251, %swap3A_252], %gather3A_249 {strides = array<i32>} : memref<4x64xf32, #tpu.memory_space<vmem>>, vector<16xf32>,
    %jit3A_254 = arith.constant 1.000000e+00 : f32
    %jit3A_255 = arith.constant 0.000000e+00 : f32
    %broadcast_in_dim3A_256 = vector.broadcast %jit3A_254 : f32 to vector<16xf32>
    %broadcast_in_dim3A_257 = vector.broadcast %jit3A_255 : f32 to vector<16xf32>
    %select_n3A_258 = arith.select %eq3A_248, %broadcast_in_dim3A_256, %broadcast_in_dim3A_257 : vector<16xi1>, vector<16xf32>
    %swap3A_259 = arith.constant 3 : i32
    %swap3A_260 = arith.index_cast %swap3A_259 : i32 to index
    %swap3A_261 = arith.constant 48 : index
    %swap3A_262 = tpu.vector_load %arg11[%swap3A_260, %swap3A_261] {strides = array<i32>} : memref<4x64xf32, #tpu.memory_space<vmem>>, vector<16xf32>,
    tpu.vector_store %arg11[%swap3A_260, %swap3A_261], %select_n3A_258 {strides = array<i32>} : memref<4x64xf32, #tpu.memory_space<vmem>>, vector<16xf32>,
    "tpu.region"() ({
      %run_scoped3A = tpu.sem_alloc : memref<!tpu.dma_semaphore, #tpu.memory_space<semaphore_mem>>
      %dma_start3A_263 = arith.constant 0 : i32
      %dma_start3A_264 = tpu.memref_slice %arg5[%mul3A_2, %dma_start3A_263] : memref<64x64xf32, #tpu.memory_space<hbm>> -> memref<4x64xf32, #tpu.memory_space<hbm>>
      %dma_start3A_265 = arith.constant 0 : i32
      %dma_start3A_266 = tpu.memref_slice %arg5[%mul3A_2, %dma_start3A_265] : memref<64x64xf32, #tpu.memory_space<hbm>> -> memref<4x64xf32, #tpu.memory_space<hbm>>
      tpu.enqueue_dma source(%arg11 : memref<4x64xf32, #tpu.memory_space<vmem>>) target(%dma_start3A_266 : memref<4x64xf32, #tpu.memory_space<hbm>>) target_semaphore(%run_scoped3A : memref<!tpu.dma_semaphore, #tpu.memory_space<semaphore_mem>>)
      %dma_wait3A_267 = arith.constant 0 : i32
      %dma_wait3A_268 = tpu.memref_slice %arg5[%mul3A_2, %dma_wait3A_267] : memref<64x64xf32, #tpu.memory_space<hbm>> -> memref<4x64xf32, #tpu.memory_space<hbm>>
      %dma_wait3A_269 = arith.constant 0 : i32
      %dma_wait3A_270 = tpu.memref_slice %arg5[%mul3A_2, %dma_wait3A_269] : memref<64x64xf32, #tpu.memory_space<hbm>> -> memref<4x64xf32, #tpu.memory_space<hbm>>
      tpu.wait_dma2 semaphore(%run_scoped3A : memref<!tpu.dma_semaphore, #tpu.memory_space<semaphore_mem>>) src(%arg11 : memref<4x64xf32, #tpu.memory_space<vmem>>) dst(%dma_wait3A_270 : memref<4x64xf32, #tpu.memory_space<hbm>>)
      tpu.yield
    }) : () -> ()
    return
  }
}

module attributes {stable_mosaic.version = 14 : i64} {
  func.func @tc_pnp_losses(%arg0: memref<64x512xf32, #tpu.memory_space<vmem>>, %arg1: memref<64x1xi32, #tpu.memory_space<vmem>>, %arg2: memref<64x64xf32, #tpu.memory_space<vmem>>, %arg3: memref<1x1xf32, #tpu.memory_space<smem>>, %arg4: memref<1x1xf32, #tpu.memory_space<smem>>) attributes {dimension_semantics = [], scalar_prefetch = 0 : i64, scratch_operands = 0 : i64, tpu.core_type = #tpu.core_type<tc>} {
    %get3A = arith.constant 0 : index
    %get3A_0 = arith.constant 0 : index
    %get3A_1 = vector.load %arg0[%get3A, %get3A_0] : memref<64x512xf32, #tpu.memory_space<vmem>>, vector<64x512xf32>
    %get3A_2 = arith.constant 0 : index
    %get3A_3 = arith.constant 0 : index
    %get3A_4 = vector.load %arg1[%get3A_2, %get3A_3] : memref<64x1xi32, #tpu.memory_space<vmem>>, vector<64x1xi32>
    %reduce_max3A = arith.constant dense<0xFF800000> : vector<64xf32>
    %reduce_max3A_5 = vector.multi_reduction <maximumf>, %get3A_1, %reduce_max3A [1] : vector<64x512xf32> to vector<64xf32>
    %broadcast_in_dim3A = vector.shape_cast %reduce_max3A_5 : vector<64xf32> to vector<64x1xf32>
    %sub3A = vector.broadcast %broadcast_in_dim3A : vector<64x1xf32> to vector<64x512xf32>
    %sub3A_6 = arith.subf %get3A_1, %sub3A : vector<64x512xf32>
    %exp3A = math.exp %sub3A_6 : vector<64x512xf32>
    %reduce_sum3A = arith.constant dense<0.000000e+00> : vector<64xf32>
    %reduce_sum3A_7 = vector.multi_reduction <add>, %exp3A, %reduce_sum3A [1] : vector<64x512xf32> to vector<64xf32>
    %broadcast_in_dim3A_8 = vector.shape_cast %reduce_sum3A_7 : vector<64xf32> to vector<64x1xf32>
    %log3A = math.log %broadcast_in_dim3A_8 : vector<64x1xf32>
    %add3A = arith.addf %log3A, %broadcast_in_dim3A : vector<64x1xf32>
    %iota3A = tpu.iota {dimensions = array<i32: 1>} : vector<64x512xi32>
    %eq3A = vector.broadcast %get3A_4 : vector<64x1xi32> to vector<64x512xi32>
    %eq3A_9 = arith.cmpi eq, %iota3A, %eq3A : vector<64x512xi32>
    %jit3A = arith.constant 0.000000e+00 : f32
    %broadcast_in_dim3A_10 = vector.broadcast %jit3A : f32 to vector<64x512xf32>
    %select_n3A = arith.select %eq3A_9, %get3A_1, %broadcast_in_dim3A_10 : vector<64x512xi1>, vector<64x512xf32>
    %reduce_sum3A_11 = arith.constant dense<0.000000e+00> : vector<64xf32>
    %reduce_sum3A_12 = vector.multi_reduction <add>, %select_n3A, %reduce_sum3A_11 [1] : vector<64x512xf32> to vector<64xf32>
    %broadcast_in_dim3A_13 = vector.shape_cast %reduce_sum3A_12 : vector<64xf32> to vector<64x1xf32>
    %sub3A_14 = arith.subf %add3A, %broadcast_in_dim3A_13 : vector<64x1xf32>
    %reduce_sum3A_15 = vector.shape_cast %sub3A_14 : vector<64x1xf32> to vector<1x64x1xf32>
    %reduce_sum3A_16 = arith.constant dense<0.000000e+00> : vector<1xf32>
    %reduce_sum3A_17 = vector.multi_reduction <add>, %reduce_sum3A_15, %reduce_sum3A_16 [1, 2] : vector<1x64x1xf32> to vector<1xf32>
    %reduce_sum3A_18 = vector.shape_cast %reduce_sum3A_17 : vector<1xf32> to vector<1x1x1xf32>
    %reduce_sum3A_19 = vector.extract %reduce_sum3A_18[0, 0, 0] : f32 from vector<1x1x1xf32>
    %div3A = arith.constant 6.400000e+01 : f32
    %div3A_20 = arith.divf %reduce_sum3A_19, %div3A : f32
    %mul3A = arith.constant 1.000000e+00 : f32
    %mul3A_21 = arith.mulf %mul3A, %div3A_20 : f32
    %swap3A = arith.constant 0 : index
    %swap3A_22 = arith.constant 0 : index
    %swap3A_23 = memref.load %arg3[%swap3A, %swap3A_22] : memref<1x1xf32, #tpu.memory_space<smem>>
    memref.store %mul3A_21, %arg3[%swap3A, %swap3A_22] : memref<1x1xf32, #tpu.memory_space<smem>>
    %get3A_24 = arith.constant 0 : index
    %get3A_25 = arith.constant 0 : index
    %get3A_26 = vector.load %arg2[%get3A_24, %get3A_25] : memref<64x64xf32, #tpu.memory_space<vmem>>, vector<64x64xf32>
    %slice3A = vector.extract_strided_slice %get3A_26 {offsets = [0, 0], sizes = [64, 32], strides = [1, 1]} : vector<64x64xf32> to vector<64x32xf32>
    %div3A_27 = arith.constant 1.000000e-01 : f32
    %div3A_28 = vector.broadcast %div3A_27 : f32 to vector<64x32xf32>
    %div3A_29 = arith.divf %slice3A, %div3A_28 : vector<64x32xf32>
    %slice3A_30 = vector.extract_strided_slice %get3A_26 {offsets = [0, 32], sizes = [64, 32], strides = [1, 1]} : vector<64x64xf32> to vector<64x32xf32>
    %neg3A = arith.constant 0.000000e+00 : f32
    %neg3A_31 = vector.broadcast %neg3A : f32 to vector<64x32xf32>
    %neg3A_32 = arith.subf %neg3A_31, %div3A_29 : vector<64x32xf32>
    %max3A = arith.constant 0.000000e+00 : f32
    %max3A_33 = vector.broadcast %max3A : f32 to vector<64x32xf32>
    %max3A_34 = arith.maximumf %neg3A_32, %max3A_33 : vector<64x32xf32>
    %abs3A = math.absf %div3A_29 : vector<64x32xf32>
    %neg3A_35 = arith.constant 0.000000e+00 : f32
    %neg3A_36 = vector.broadcast %neg3A_35 : f32 to vector<64x32xf32>
    %neg3A_37 = arith.subf %neg3A_36, %abs3A : vector<64x32xf32>
    %exp3A_38 = math.exp %neg3A_37 : vector<64x32xf32>
    %log1p3A = math.log1p %exp3A_38 : vector<64x32xf32>
    %add3A_39 = arith.addf %max3A_34, %log1p3A : vector<64x32xf32>
    %mul3A_40 = arith.mulf %slice3A_30, %add3A_39 : vector<64x32xf32>
    %reduce_sum3A_41 = vector.shape_cast %mul3A_40 : vector<64x32xf32> to vector<1x64x32xf32>
    %reduce_sum3A_42 = arith.constant dense<0.000000e+00> : vector<1xf32>
    %reduce_sum3A_43 = vector.multi_reduction <add>, %reduce_sum3A_41, %reduce_sum3A_42 [1, 2] : vector<1x64x32xf32> to vector<1xf32>
    %reduce_sum3A_44 = vector.shape_cast %reduce_sum3A_43 : vector<1xf32> to vector<1x1x1xf32>
    %reduce_sum3A_45 = vector.extract %reduce_sum3A_44[0, 0, 0] : f32 from vector<1x1x1xf32>
    %reduce_sum3A_46 = vector.shape_cast %slice3A_30 : vector<64x32xf32> to vector<1x64x32xf32>
    %reduce_sum3A_47 = arith.constant dense<0.000000e+00> : vector<1xf32>
    %reduce_sum3A_48 = vector.multi_reduction <add>, %reduce_sum3A_46, %reduce_sum3A_47 [1, 2] : vector<1x64x32xf32> to vector<1xf32>
    %reduce_sum3A_49 = vector.shape_cast %reduce_sum3A_48 : vector<1xf32> to vector<1x1x1xf32>
    %reduce_sum3A_50 = vector.extract %reduce_sum3A_49[0, 0, 0] : f32 from vector<1x1x1xf32>
    %div3A_51 = arith.divf %reduce_sum3A_45, %reduce_sum3A_50 : f32
    %mul3A_52 = arith.constant 2.000000e-01 : f32
    %mul3A_53 = arith.mulf %mul3A_52, %div3A_51 : f32
    %swap3A_54 = arith.constant 0 : index
    %swap3A_55 = arith.constant 0 : index
    %swap3A_56 = memref.load %arg4[%swap3A_54, %swap3A_55] : memref<1x1xf32, #tpu.memory_space<smem>>
    memref.store %mul3A_53, %arg4[%swap3A_54, %swap3A_55] : memref<1x1xf32, #tpu.memory_space<smem>>
    return
  }
}

</mosaic_0001>

<sc_bundles>
// kernel: sc_gather_dedup.3.cloned.1.call-start
scs
__scs_entry_jumppad:
0x0: {  	(pc) =	sbr.rel $0x88, $3  }
0x1: {  	(tag) =	ssettag $0x0;
	lr =	simm.s32 $0x1  }
0x2: {  	[smem:$0x3F9D] =	sst lr;
	_ =	strace $0xD0000000  }
0x3: {  	_ = 	snop  }
0x4: {  	_ = 	snop  }
0x5: {  	_ = 	snop  }
0x6: {  	_ = 	snop  }
0x7: {  	_ = 	snop  }
__scs_overlays_trampoline_lowered:
0x8: {  	[smem:$0x3FAC] =	sst s0  }
0x9: {  	[smem:$0x3FAD] =	sst s1  }
0xa: {  	[smem:$0x3FAE] =	sst s2  }
0xb: {  	[smem:$0x3FAF] =	sst s3  }
0xc: {  	[smem:$0x3FB0] =	sst s4  }
0xd: {  	[smem:$0x3FB1] =	sst s5  }
0xe: {  	[smem:$0x3FB2] =	sst s6  }
0xf: {  	[smem:$0x3FB3] =	sst s7  }
0x10: {  	[smem:$0x3FB4] =	sst s8  }
0x11: {  	[smem:$0x3FB5] =	sst s9;
	s0 =	simm.s32 @!p0 $0x0  }
0x12: {  	s1 =	sld [smem:$0x3F9B];
	s0 =	simm.s32 @p0 $0x1  }
0x13: {  	[smem:$0x3FB6] =	sst s0;
	s0 =	simm.s32 @!p1 $0x0  }
0x14: {  	s2 =	sld [smem:$0x3F9A];
	s0 =	simm.s32 @p1 $0x1  }
0x15: {  	[smem:$0x3FB7] =	sst s0;
	s0 =	simm.s32 @!p2 $0x0  }
0x16: {  	s3 =	sld [smem:$0x3FDB];
	s0 =	simm.s32 @p2 $0x1  }
0x17: {  	s4 =	simm.s32 $0x1BF5;
	[smem:$0x3FB9] =	sst s0  }
0x18: {  	s0 =	sld [smem:$0x3F9C];
	_ =	swait.ge [sflag:s4], $0x0  }
0x19: {  	s7 =	sld [smem:$0x3F9D]  }
0x1a: {  	s8 =	sadd.s32 $0xFFFFE003, lr  }
0x1b: {  	s9 =	sadd.s32 $0xFFFFFEF7, lr;
	s5 =	simm.s32 $0xFFFFFFFF;
	p2 =	slt.u32 s8, $0xFFFFF086  }
0x1c: {  	p1 =	slt.u32 s9, $0xF7A;
	s5 =	simm.s32 @!p2 $0x0  }
0x1d: {  	s5 =	simm.s32 @p1 $0x1;
	p0 =	seq.s32 s7, s2  }
0x1e: {  	s7 =	smul.u32 @!p0 $0xF7A, s2;
	p2 =	seq.s32 @!p0 s5, $0x0  }
0x1f: {  	s9 =	smul.u32 $0xF7A, s1;
	s8 =	simm.s32 @!p0 $0x1BF5;
	p2 =	por !p2, p0  }
0x20: {  	[sflag:s8] =	ssyncset.s32 @!p0 $0xFFFFF086;
	s6 =	sadd.s32 @!p0 s3, s7;
	s7 =	simm.s32 @!p0 $0x108  }
0x21: {  	s3 =	sadd.s32 s3, s9;
	s6 =	sadd.s32 @!p0 $0x88, s6;
	s7 =	simm.s32 @p2 $0x1082  }
0x22: {  	[simem:s7], [sflag:s8] =	dma.local @!p0 [hbm:s6], $0xF7A  }
0x23: {  	s9 =	sor.u32 $0xD0000000, s2;
	s6 =	simm.s32 $0x108;
	_ =	swait.ge @!p0 [sflag:s8], $0x0  }
0x24: {  	s3 =	sadd.s32 $0x88, s3;
	s6 =	simm.s32 @!p1 $0x1082;
	[sflag:s4] =	ssyncset.s32 $0xFFFFF086  }
0x25: {  	[simem:s6], [sflag:s4] =	dma.local [hbm:s3], $0xF7A  }
0x26: {  	[smem:$0x3F9D] =	sst s1;
	(tag) =	ssettag s2;
	_ =	strace s9  }
0x27: {  	s1 =	sld [smem:$0x3FAD]  }
0x28: {  	s2 =	sld [smem:$0x3FAE]  }
0x29: {  	s4 =	sld [smem:$0x3FB0]  }
0x2a: {  	p0 =	seq.s32 s5, $0x0;
	s5 =	sld [smem:$0x3FB1]  }
0x2b: {  	s6 =	sld [smem:$0x3FB2]  }
0x2c: {  	s7 =	sld [smem:$0x3FB3]  }
0x2d: {  	s3 =	simm.s32 $0x108;
	s8 =	sld [smem:$0x3FB4]  }
0x2e: {  	s3 =	simm.s32 @!p0 $0x1082;
	s9 =	sld [smem:$0x3FB5]  }
0x2f: {  	lr =	sadd.s32 s0, s3;
	s0 =	sld [smem:$0x3FAC]  }
0x30: {  	s3 =	sld [smem:$0x3FAF]  }
0x31: {  	[smem:$0x3FB8] =	sst s10  }
0x32: {  	s10 =	sld [smem:$0x3FB6];
	_ =	sdelay $0x3  }
0x33: {  	p0 =	seq.s32 s10, $0x1;
	s10 =	sld [smem:$0x3FB8];
	_ =	sdelay $0x3  }
0x34: {  	[smem:$0x3FB8] =	sst s10  }
0x35: {  	s10 =	sld [smem:$0x3FB7];
	_ =	sdelay $0x3  }
0x36: {  	p1 =	seq.s32 s10, $0x1;
	s10 =	sld [smem:$0x3FB8];
	_ =	sdelay $0x3  }
0x37: {  	[smem:$0x3FB8] =	sst s10  }
0x38: {  	s10 =	sld [smem:$0x3FB9]  }
0x39: {  	_ = 	snop;
	(pc) =	sbr.ind lr, $3  }
0x3a: {  	_ = 	snop  }
0x3b: {  	_ = 	snop  }
0x3c: {  	p2 =	seq.s32 s10, $0x1;
	s10 =	sld [smem:$0x3FB8]  }
0x3d: {  	_ =	shalt  }
0x3e: {  	_ =	shalt  }
0x3f: {  	_ =	shalt  }
0x40: {  	_ =	shalt  }
0x41: {  	_ =	shalt  }
0x42: {  	_ =	shalt  }
0x43: {  	_ =	shalt  }
0x44: {  	_ =	shalt  }
0x45: {  	_ =	shalt  }
0x46: {  	_ =	shalt  }
0x47: {  	_ =	shalt  }
0x48: {  	_ =	shalt  }
0x49: {  	_ =	shalt  }
0x4a: {  	_ =	shalt  }
0x4b: {  	_ =	shalt  }
0x4c: {  	_ =	shalt  }
0x4d: {  	_ =	shalt  }
0x4e: {  	_ =	shalt  }
0x4f: {  	_ =	shalt  }
0x50: {  	_ =	shalt  }
0x51: {  	_ =	shalt  }
0x52: {  	_ =	shalt  }
0x53: {  	_ =	shalt  }
0x54: {  	_ =	shalt  }
0x55: {  	_ =	shalt  }
0x56: {  	_ =	shalt  }
0x57: {  	_ =	shalt  }
0x58: {  	_ =	shalt  }
0x59: {  	_ =	shalt  }
0x5a: {  	_ =	shalt  }
0x5b: {  	_ =	shalt  }
0x5c: {  	_ =	shalt  }
0x5d: {  	_ =	shalt  }
0x5e: {  	_ =	shalt  }
0x5f: {  	_ =	shalt  }
0x60: {  	_ =	shalt  }
0x61: {  	_ =	shalt  }
0x62: {  	_ =	shalt  }
0x63: {  	_ =	shalt  }
0x64: {  	_ =	shalt  }
0x65: {  	_ =	shalt  }
0x66: {  	_ =	shalt  }
0x67: {  	_ =	shalt  }
0x68: {  	_ =	shalt  }
0x69: {  	_ =	shalt  }
0x6a: {  	_ =	shalt  }
0x6b: {  	_ =	shalt  }
0x6c: {  	_ =	shalt  }
0x6d: {  	_ =	shalt  }
0x6e: {  	_ =	shalt  }
0x6f: {  	_ =	shalt  }
0x70: {  	_ =	shalt  }
0x71: {  	_ =	shalt  }
0x72: {  	_ =	shalt  }
0x73: {  	_ =	shalt  }
0x74: {  	_ =	shalt  }
0x75: {  	_ =	shalt  }
0x76: {  	_ =	shalt  }
0x77: {  	_ =	shalt  }
0x78: {  	_ =	shalt  }
0x79: {  	_ =	shalt  }
0x7a: {  	_ =	shalt  }
0x7b: {  	_ =	shalt  }
0x7c: {  	_ =	shalt  }
0x7d: {  	_ =	shalt  }
0x7e: {  	_ =	shalt  }
0x7f: {  	_ =	shalt  }
0x80: {  	_ =	shalt  }
0x81: {  	_ =	shalt  }
0x82: {  	_ =	shalt  }
0x83: {  	_ =	shalt  }
0x84: {  	_ =	shalt  }
0x85: {  	_ =	shalt  }
0x86: {  	_ =	shalt  }
0x87: {  	_ =	shalt  }
.Lfunc_end0:
.L_simem_size_0:
called_computation_lowered:
.L_overlay_start_0:
0x88: {  	s0 =	sld [smem:$0x3FD9]  }
0x89: {  	s1 =	sld [smem:$0x3FFE];
	_ =	sdelay $0x3  }
0x8a: {  	s0 =	sadd.s32 s1, s0  }
0x8b: {  	[smem:$0x3FC4] =	sst s0  }
0x8c: {  	_ = 	snop  }
0x8d: {  	s0 =	sld [smem:$0x3FC8]  }
0x8e: {  	s16 =	sld [smem:$0x3FC7];
	(tm) =	ssettm $0x1  }
0x8f: {  	s2 =	sld [smem:$0x3FFB];
	_ =	sdelay $0x3  }
0x90: {  	_ =	strace s2  }
0x91: {  	s2 =	sld [smem:$0x3FFC];
	_ =	sdelay $0x3  }
0x92: {  	_ =	strace s2  }
0x93: {  	s2 =	sld [smem:$0x3FFD];
	_ =	sdelay $0x3  }
0x94: {  	_ =	strace s2  }
0x95: {  	_ =	strace $0x8FFFFFFF  }
0x96: {  	s17 =	sld [smem:$0x3FDB];
	_ =	sdelay $0x1  }
0x97: {  	s3 =	simm.s32 $_scs_section_size  }
0x98: {  	s4 =	simm.s32 $_size__tile_overlayer_lowered;
	s5 =	simm.s32 $_tile_overlayer_lowered  }
0x99: {  	s20 =	simm.s32 $0x1BFF;
	s19 =	sshll.u32 s5, $0x1;
	s2 =	sadd.s32 s3, s17  }
0x9a: {  	s6 =	simm.s32 $0x0;
	s18 =	sshll.u32 s4, $0x1;
	s4 =	sadd.s32 s19, s2  }
0x9b: {  	[timem:s6], [sflag:s20] =	dma.local [hbm:s4], s18  }
0x9c: {  	_ =	swait.ge [sflag:s20], s18  }
0x9d: {  	s3 =	ssub.s32 $0x0, s18;
	[sflag:s20] =	ssyncset.done $0x0  }
0x9e: {  	[sflag:s20] =	ssyncadd.s32 s3;
	_ =	sdelay $0x1  }
0x9f: {  	s21 =	simm.s32 $0x1B8B  }
0xa0: {  	_ =	swait.ge [sflag:s21], $0x1  }
0xa1: {  	[sflag:s21] =	ssyncset.done $0x0  }
0xa2: {  	s23 =	simm.s32 $0x1B8E;
	s22 =	sld [smem:$0x3FFE];
	[sflag:s21] =	ssyncadd.s32 $0xFFFFFFFF  }
0xa3: {  	s24 =	simm.s32 $execute0_lowered;
	[smem:$0x3FD2] =	sst s23  }
0xa4: {  	s4 =	sshll.u32 s24, $0x1;
	_ =	strace $0x80000046;
	[dreg:$0x1] =	wrdreg $0xFFFFFFFF  }
0xa5: {  	s25 =	simm.s32 $_size_execute0_lowered;
	s2 =	sadd.s32 s2, s4;
	[dreg:$0x0] =	wrdreg $0x0  }
0xa6: {  	s4 =	sshll.u32 s25, $0x1;
	[dreg:$0x2] =	wrdreg s2  }
0xa7: {  	[dreg:$0x3] =	wrdreg s4  }
0xa8: {  	[dreg:$0x4] =	wrdreg $0xC0  }
0xa9: {  	_ =	task [dreg:s6], $0x5FFFF  }
0xaa: {  	[dreg:$0x1] =	wrdreg $0xFFFFFFFF  }
0xab: {  	[dreg:$0x0] =	wrdreg $0x60  }
0xac: {  	[dreg:$0x2] =	wrdreg s0  }
0xad: {  	[dreg:$0x3] =	wrdreg s16  }
0xae: {  	[dreg:$0x4] =	wrdreg s22  }
0xaf: {  	[dreg:$0x5] =	wrdreg $0x9  }
0xb0: {  	_ =	task.clear_ibuf [dreg:s6], $0x6FFFF;
	_ =	strace $0x90000046  }
0xb1: {  	s26 =	simm.s32 $0x9;
	_ =	strace $0x80000048  }
0xb2: {  	_ =	swait.ge [sflag:s26], $0x1  }
0xb3: {  	[sflag:s26] =	ssyncadd.s32 $0xFFFFFFFF  }
0xb4: {  	_ =	strace $0x90000048  }
0xb5: {  	_ =	sfence  }
0xb6: {  	s28 =	sld [smem:$0x0];
	_ =	sdelay $0x1  }
0xb7: {  	s29 =	srdreg.scid  }
0xb8: {  	s30 =	sshll.u32 s29, $0xD;
	s31 =	sshrl.u32 s29, $0x2  }
0xb9: {  	s1 =	sand.u32 $0x1, s29;
	s2 =	sand.u32 $0x4000, s30;
	s0 =	sadd.s32 s31, s28  }
0xba: {  	s1 =	sor.u32 s2, s1;
	s0 =	sshll.u32 s0, $0x11  }
0xbb: {  	s0 =	sor.u32 s0, s1  }
0xbc: {  	s0 =	sadd.s32 $0x8F2B, s0  }
0xbd: {  	[sflag:s0] =	ssyncadd.remote.s32 $0x1  }
0xbe: {  	_ =	sfence.sel $0xFFFF  }
0xbf: {  	[dreg:$0x0] =	wrdreg $0xFFFFFFFF;
	(pc) =	sbr.abs _section_cstart, $3  }
0xc0: {  	[dreg:$0x1] =	wrdreg $0xFFFFFFFF  }
0xc1: {  	_ =	task.clear_ibuf [dreg:s6], $0x2FFFF;
	_ =	strace $0x9FFFFFFF  }
0xc2: {  	(tm) =	ssettm $0x7FFFFFFF  }
0xc3: {  	_ =	shalt  }
tec
execute0_lowered:
.L_overlay_start_1:
0x0: {  	(tag) =	ssettag $0x1  }
0x1: {  	s6 =	rddreg [dreg:$0x0]  }
0x2: {  	s1 =	rddreg [dreg:$0x1]  }
0x3: {  	s4 =	rddreg [dreg:$0x2]  }
0x4: {  	s0 =	rddreg [dreg:$0x3];
	s2 =	simm.s32 $0x0  }
0x5: {  	[smem:$0x7FF] =	sst s2  }
0x6: {  	v0 =	vimm.s32 $0x3020100;
	s20 =	stileid.u32;
	s3 =	simm.s32 $0x2;
	_ =	strace $0x80000047  }
0x7: {  	v0 =	vunpack.c.0.s8.s32 v0;
	[tilespmem:s2], [sflag:$0x2] =	stream.linear.gather [hbm4b:s1+s2], $0x40, $0x38;
	[tilespmem:$0x2D00] =	vst v63  }
0x8: {  	vm0 =	vcmask $0xF00;
	s5 =	sshll.u32 s20, $0x6;
	_ =	swait.ge [sflag:s3], $0x40  }
0x9: {  	s21 =	sshll.u32 s20, $0x2;
	s4 =	sadd.s32 s5, s4;
	v0 =	vnsel vm0, $0x3, v0;
	[sflag:s3] =	ssyncset.done $0x0  }
0xa: {  	s22 =	simm.s32 $0x80;
	s7 =	sadd.s32 $0xC00, s4;
	v0 =	vor.u32 s21, v0;
	[sflag:s3] =	ssyncadd.s32 $0xFFFFFFC0  }
0xb: {  	[tilespmem:s22], [sflag:$0x2] =	stream.linear.gather [hbm4b:s7+s2], $0x200, $0x38;
	[tilespmem:$0x2D00] =	vst v63  }
0xc: {  	_ =	swait.ge [sflag:s3], $0x200  }
0xd: {  	[sflag:s3] =	ssyncset.done $0x0  }
0xe: {  	[sflag:s3] =	ssyncadd.s32 $0xFFFFFE00  }
0xf: {  	v1 =	vld.idx.msk [tilespmem:v0+s2+$0x0], $0xffff;
	_ =	sdelay $0x3  }
0x10: {  	v0 =	vshll.u32 v0, $0x9  }
0x11: {  	v0 =	vadd.s32 v0, v1  }
0x12: {  	[tilespmem:$0x280] =	vst v0  }
0x13: {  	v0 =	vld.msk [tilespmem:$0x280], $0xf;
	_ =	sdelay $0x4  }
0x14: {  	v28 =	vshll.u32 v0, $0x4  }
0x15: {  	v2 =	vlaneseq.u32;
	v0 =	vand.u32 $0x7, v0;
	v1 =	vand.u32 $0xFFFFFF80, v28  }
0x16: {  	v29 =	vand.u32 $0x3, v2;
	v3 =	vshrl.u32 v2, $0x2;
	v0 =	vor.u32 v0, v1  }
0x17: {  	v30 =	vmul.u32 $0x8, v3;
	v0 =	vperm.xlane v0, v29;
	_ =	sdelay $0x1  }
0x18: {  	v0 =	vadd.s32 v30, v0;
	_ =	sdelay $0x3  }
0x19: {  	vm7 =	vmmov $0xffff;
	s23 =	simm.s32 $0x300  }
0x1a: {  	[tilespmem:s23], [sflag:$0x1] =	stream.indirect_vreg.gather [hbm4b:s6+s2], $0x80, v0, vm7, $0xb8;
	[tilespmem:$0x2D00] =	vst v63  }
0x1b: {  	s8 =	simm.s32 $0xB00;
	s24 =	sadd.s32 $0x200, s6  }
0x1c: {  	[tilespmem:s8], [sflag:$0x1] =	stream.indirect_vreg.gather [hbm4b:s24+s2], $0x80, v0, vm7, $0xb8;
	[tilespmem:$0x2D00] =	vst v63  }
0x1d: {  	s26 =	simm.s32 $0x1300;
	s25 =	sadd.s32 $0x400, s6  }
0x1e: {  	[tilespmem:s26], [sflag:$0x1] =	stream.indirect_vreg.gather [hbm4b:s25+s2], $0x80, v0, vm7, $0xb8;
	[tilespmem:$0x2D00] =	vst v63  }
0x1f: {  	s28 =	simm.s32 $0x1B00;
	s29 =	simm.s32 $0x1;
	s6 =	sadd.s32 $0x600, s6  }
0x20: {  	[tilespmem:s28], [sflag:$0x1] =	stream.indirect_vreg.gather [hbm4b:s6+s2], $0x80, v0, vm7, $0xb8;
	[tilespmem:$0x2D00] =	vst v63  }
0x21: {  	_ =	swait.ge [sflag:s29], $0x2000  }
0x22: {  	[sflag:s29] =	ssyncset.done $0x0  }
0x23: {  	[sflag:s29] =	ssyncadd.s32 $0xFFFFE000  }
0x24: {  	v31 =	vld [tilespmem:$0x80];
	_ =	sdelay $0x6  }
0x25: {  	s30 =	simm.s32 $0x2300  }
0x26: {  	[tilespmem:v31+s30+$0x0] =	vst.idx.msk $0xffff, v2  }
0x27: {  	v0 =	vld [tilespmem:$0x90];
	_ =	sdelay $0x6  }
0x28: {  	v32 =	vor.u32 $0x10, v2  }
0x29: {  	[tilespmem:v0+s30+$0x0] =	vst.idx.msk $0xffff, v32  }
0x2a: {  	v0 =	vld [tilespmem:$0x80];
	_ =	sdelay $0x4  }
0x2b: {  	v33 =	vshll.u32 v0, $0x2  }
0x2c: {  	v4 =	vand.u32 $0x7F, v0;
	v3 =	vand.u32 $0xFFFFFE00, v33  }
0x2d: {  	v34 =	vld [tilespmem:$0x90];
	v3 =	vor.u32 v4, v3;
	_ =	sdelay $0x1  }
0x2e: {  	v0 =	vld.idx.msk [tilespmem:v0+s30+$0x0], $0xffff;
	_ =	sdelay $0x2  }
0x2f: {  	v5 =	vshll.u32 v34, $0x2;
	v3 =	vld.idx.msk [tilespmem:v3+s23+$0x0], $0xffff  }
0x30: {  	v6 =	vand.u32 $0x7F, v34;
	v5 =	vand.u32 $0xFFFFFE00, v5  }
0x31: {  	v35 =	vimm.f32 $0.0e+00;
	v5 =	vor.u32 v6, v5;
	vm8 =	veq.s32 v0, v2  }
0x32: {  	v36 =	vsel vm8, $0x3F800000, v35  }
0x33: {  	[tilespmem:$0x2B20] =	vst v36  }
0x34: {  	v37 =	vld [tilespmem:$0x100];
	[tilespmem:$0x2B00] =	vst v3  }
0x35: {  	v3 =	vld.idx.msk [tilespmem:v34+s30+$0x0], $0xffff  }
0x36: {  	v5 =	vld.idx.msk [tilespmem:v5+s23+$0x0], $0xffff;
	_ =	sdelay $0x3  }
0x37: {  	vm9 =	veq.s32 v3, v32  }
0x38: {  	[tilespmem:$0x2B10] =	vst v5;
	v3 =	vsel vm9, $0x3F800000, v35  }
0x39: {  	[tilespmem:$0x2B30] =	vst v3  }
0x3a: {  	[tilespmem:v37+s30+$0x0] =	vst.idx.msk $0xffff, v2  }
0x3b: {  	v38 =	vld [tilespmem:$0x110];
	_ =	sdelay $0x7  }
0x3c: {  	[tilespmem:v38+s30+$0x0] =	vst.idx.msk $0xffff, v32  }
0x3d: {  	v3 =	vld [tilespmem:$0x100];
	_ =	sdelay $0x4  }
0x3e: {  	v39 =	vshll.u32 v3, $0x2  }
0x3f: {  	v40 =	vand.u32 $0x7F, v3;
	v4 =	vand.u32 $0xFFFFFE00, v39  }
0x40: {  	v41 =	vld [tilespmem:$0x110];
	v4 =	vor.u32 v4, v40  }
0x41: {  	v4 =	vor.u32 $0x80, v4;
	_ =	sdelay $0x1  }
0x42: {  	v3 =	vld.idx.msk [tilespmem:v3+s30+$0x0], $0xffff;
	_ =	sdelay $0x1  }
0x43: {  	v42 =	vshll.u32 v41, $0x2  }
0x44: {  	v7 =	vand.u32 $0x7F, v41;
	v6 =	vand.u32 $0xFFFFFE00, v42;
	v4 =	vld.idx.msk [tilespmem:v4+s23+$0x0], $0xffff  }
0x45: {  	v6 =	vor.u32 v6, v7  }
0x46: {  	v43 =	vor.u32 $0x80, v6;
	vm10 =	veq.s32 v3, v2  }
0x47: {  	v44 =	vsel vm10, $0x3F800000, v35  }
0x48: {  	[tilespmem:$0x2BA0] =	vst v44  }
0x49: {  	v45 =	vld [tilespmem:$0x180];
	[tilespmem:$0x2B80] =	vst v4  }
0x4a: {  	v4 =	vld.idx.msk [tilespmem:v41+s30+$0x0], $0xffff  }
0x4b: {  	v3 =	vld.idx.msk [tilespmem:v43+s23+$0x0], $0xffff;
	_ =	sdelay $0x3  }
0x4c: {  	vm11 =	veq.s32 v4, v32  }
0x4d: {  	[tilespmem:$0x2B90] =	vst v3;
	v46 =	vsel vm11, $0x3F800000, v35  }
0x4e: {  	[tilespmem:$0x2BB0] =	vst v46  }
0x4f: {  	[tilespmem:v45+s30+$0x0] =	vst.idx.msk $0xffff, v2  }
0x50: {  	v47 =	vld [tilespmem:$0x190];
	_ =	sdelay $0x7  }
0x51: {  	[tilespmem:v47+s30+$0x0] =	vst.idx.msk $0xffff, v32  }
0x52: {  	v3 =	vld [tilespmem:$0x180];
	_ =	sdelay $0x4  }
0x53: {  	v48 =	vshll.u32 v3, $0x2  }
0x54: {  	v49 =	vand.u32 $0x7F, v3;
	v4 =	vand.u32 $0xFFFFFE00, v48  }
0x55: {  	v50 =	vld [tilespmem:$0x190];
	v4 =	vor.u32 v4, v49  }
0x56: {  	v4 =	vor.u32 $0x100, v4;
	_ =	sdelay $0x1  }
0x57: {  	v3 =	vld.idx.msk [tilespmem:v3+s30+$0x0], $0xffff;
	_ =	sdelay $0x1  }
0x58: {  	v51 =	vshll.u32 v50, $0x2  }
0x59: {  	v52 =	vand.u32 $0x7F, v50;
	v6 =	vand.u32 $0xFFFFFE00, v51;
	v4 =	vld.idx.msk [tilespmem:v4+s23+$0x0], $0xffff  }
0x5a: {  	v6 =	vor.u32 v6, v52  }
0x5b: {  	v53 =	vor.u32 $0x100, v6;
	vm12 =	veq.s32 v3, v2  }
0x5c: {  	v54 =	vsel vm12, $0x3F800000, v35  }
0x5d: {  	[tilespmem:$0x2C20] =	vst v54  }
0x5e: {  	v55 =	vld [tilespmem:$0x200];
	[tilespmem:$0x2C00] =	vst v4  }
0x5f: {  	v4 =	vld.idx.msk [tilespmem:v50+s30+$0x0], $0xffff  }
0x60: {  	v3 =	vld.idx.msk [tilespmem:v53+s23+$0x0], $0xffff;
	_ =	sdelay $0x3  }
0x61: {  	vm13 =	veq.s32 v4, v32  }
0x62: {  	[tilespmem:$0x2C10] =	vst v3;
	v56 =	vsel vm13, $0x3F800000, v35  }
0x63: {  	[tilespmem:$0x2C30] =	vst v56  }
0x64: {  	[tilespmem:v55+s30+$0x0] =	vst.idx.msk $0xffff, v2  }
0x65: {  	v57 =	vld [tilespmem:$0x210];
	_ =	sdelay $0x7  }
0x66: {  	[tilespmem:v57+s30+$0x0] =	vst.idx.msk $0xffff, v32  }
0x67: {  	v3 =	vld [tilespmem:$0x200];
	_ =	sdelay $0x4  }
0x68: {  	v58 =	vshll.u32 v3, $0x2  }
0x69: {  	v59 =	vand.u32 $0x7F, v3;
	v4 =	vand.u32 $0xFFFFFE00, v58  }
0x6a: {  	v60 =	vld [tilespmem:$0x210];
	v4 =	vor.u32 v4, v59  }
0x6b: {  	v4 =	vor.u32 $0x180, v4;
	_ =	sdelay $0x1  }
0x6c: {  	v3 =	vld.idx.msk [tilespmem:v3+s30+$0x0], $0xffff;
	_ =	sdelay $0x1  }
0x6d: {  	v61 =	vshll.u32 v60, $0x2  }
0x6e: {  	v62 =	vand.u32 $0x7F, v60;
	v6 =	vand.u32 $0xFFFFFE00, v61;
	v4 =	vld.idx.msk [tilespmem:v4+s23+$0x0], $0xffff  }
0x6f: {  	v6 =	vor.u32 v6, v62  }
0x70: {  	v6 =	vor.u32 $0x180, v6;
	vm14 =	veq.s32 v3, v2  }
0x71: {  	v2 =	vsel vm14, $0x3F800000, v35  }
0x72: {  	[tilespmem:$0x2CA0] =	vst v2  }
0x73: {  	[tilespmem:$0x2C80] =	vst v4  }
0x74: {  	v2 =	vld.idx.msk [tilespmem:v60+s30+$0x0], $0xffff  }
0x75: {  	v63 =	vld.idx.msk [tilespmem:v6+s23+$0x0], $0xffff;
	_ =	sdelay $0x3  }
0x76: {  	vm15 =	veq.s32 v2, v32  }
0x77: {  	[tilespmem:$0x2C90] =	vst v63;
	v0 =	vsel vm15, $0x3F800000, v35  }
0x78: {  	s31 =	simm.s32 $0x2B00;
	s4 =	sadd.s32 $0x1000, s4;
	[tilespmem:$0x2CB0] =	vst v0  }
0x79: {  	[hbm4b:s4+s2] =	stream.linear.scatter [tilespmem:s31], [sflag:$0x2], $0x200, $0x38;
	[tilespmem:$0x2D00] =	vst v63  }
0x7a: {  	_ =	swait.ge [sflag:s3], $0x200  }
0x7b: {  	[sflag:s3] =	ssyncset.done $0x0  }
0x7c: {  	[sflag:s3] =	ssyncadd.s32 $0xFFFFFE00  }
0x7d: {  	_ =	sfence.sel $0x180000  }
0x7e: {  	[bflag:$0x0] =	sbarrier.arrive $0xFFFF  }
0x7f: {  	p0 =	sne.s32 s20, $0x0;
	_ =	strace $0x90000047  }
0x80: {  	s0 =	sadd.s32 @!p0 $0x100000, s0;
	[bflag:$0x2] =	sbarrier.arrive $0xFFFF  }
0x81: {  	[sflag:s0] =	ssyncadd.tile.s32 @!p0 $0x1;
	_ =	shalt  }
.Lfunc_end2:
_tile_overlayer_lowered:
.L_overlay_start_2:
0x82: {  	(tag) =	ssettag $0x2  }
0x83: {  	s0 =	rddreg [dreg:$0x0];
	s2 =	stileid.u32  }
0x84: {  	s1 =	rddreg [dreg:$0x1];
	p0 =	sne.s32 s2, $0x0  }
0x85: {  	s3 =	rddreg [dreg:$0x2];
	[bflag:$0x3] =	sbarrier.arrive $0xFFFF;
	s2 =	simm.s32 @!p0 $0x1C02  }
0x86: {  	[timem:s3], [sflag:s2] =	dma.local @!p0 [hbm:s0], s1  }
0x87: {  	s0 =	simm.s32 @!p0 $0x2  }
0x88: {  	_ =	swait.ge @!p0 [sflag:s0], s1  }
0x89: {  	s1 =	ssub.s32 @!p0 $0x0, s1;
	[sflag:s0] =	ssyncset.done @!p0 $0x0  }
0x8a: {  	[sflag:s0] =	ssyncadd.s32 @!p0 s1  }
0x8b: {  	[bflag:$0x3] =	sbarrier.arrive $0xFFFF  }
0x8c: {  	_ =	shalt  }

</sc_bundles>
